<compile_context>
chip_gen: v7x
topology: tpu7x:2x2x1
jax: 0.10.2.dev20260603
libtpu: 0.0.44.dev20260713+nightly
codegen_flags: <defaults>
</compile_context>

<pallas_src>
import functools

import jax
import jax.numpy as jnp
from jax import lax
from jax.experimental import pallas as pl
from jax.experimental.pallas import tpu as pltpu
from jax.experimental.pallas import tpu_sc as plsc

_N = 10000
_D = 128
_NC = 2
_NS = 16
_NW = _NC * _NS
_K = 128
_ACC_R = 10240
_ZR = _ACC_R // _NS
_HR = _ACC_R // _K


def _transform_body(x_ref, w_ref, b_ref, c_ref, o_ref):
    x = x_ref[...]
    c = c_ref[0, 0]
    sc = jnp.sqrt(c)
    nrm = jnp.sqrt(jnp.sum(x * x, axis=1, keepdims=True))
    z = sc * nrm
    atanh_z = 0.5 * jnp.log((1.0 + z) / (1.0 - z))
    t = (2.0 / sc) * atanh_z * x / nrm
    o_ref[...] = lax.dot_general(t, w_ref[...], (((1,), (1,)), ((), ())),
                                 preferred_element_type=jnp.float32) + b_ref[...]


def _combine_body(p_ref, h_ref, c_ref, o_ref):
    s = p_ref[0] + p_ref[1]
    cnt = jnp.sum(h_ref[...], axis=1, keepdims=True)
    v = s / jnp.maximum(cnt, 1.0)
    c = c_ref[0, 0]
    sc = jnp.sqrt(c)
    nrm = jnp.sqrt(jnp.sum(v * v, axis=1, keepdims=True))
    o_ref[...] = jnp.tanh(sc * nrm / 2.0) * v / (sc * nrm)


def _aggregate_body(src_hbm, dst_hbm, table_hbm, zeros_hbm,
                    out_hbm, cnt_hbm, sidx, didx, rows, hist, acc, sem):
    cid = lax.axis_index("c")
    sid = lax.axis_index("s")
    w = sid * _NC + cid

    pltpu.sync_copy(zeros_hbm, acc.at[pl.ds(sid * _ZR, _ZR)])
    pltpu.sync_copy(zeros_hbm.at[pl.ds(0, _HR)], hist)
    plsc.subcore_barrier()

    pltpu.sync_copy(src_hbm.at[w], sidx)
    pltpu.sync_copy(dst_hbm.at[w], didx)

    nchunks = sidx.shape[0]

    def body(i, carry):
        cp = pltpu.async_copy(table_hbm.at[sidx.at[i]], rows, sem)

        for j in range(_K // 16):
            d16 = didx[i, pl.ds(j * 16, 16)]
            cnt, last = plsc.scan_count(d16)
            plsc.addupdate_scatter(
                hist,
                [lax.shift_right_logical(d16, 7), lax.bitwise_and(d16, 127)],
                cnt.astype(jnp.float32),
                mask=last)
        cp.wait()
        pltpu.sync_copy(rows, acc.at[didx.at[i]], add=True)
        return carry

    lax.fori_loop(0, nchunks, body, 0)
    plsc.subcore_barrier()

    pltpu.sync_copy(acc.at[pl.ds(sid * _ZR, _ZR)],
                    out_hbm.at[pl.ds(cid * _ACC_R + sid * _ZR, _ZR)])
    pltpu.sync_copy(hist, cnt_hbm.at[w])


def kernel(edge_index, node_embeddings, W, b, curvature):
    n, d = node_embeddings.shape
    e = edge_index.shape[1]
    src = edge_index[0].astype(jnp.int32)
    dst = edge_index[1].astype(jnp.int32)

    ew = -(-e // (_NW * _K)) * _K
    e_pad = ew * _NW
    if e_pad != e:
        src = jnp.concatenate([src, jnp.zeros((e_pad - e,), jnp.int32)])
        dst = jnp.concatenate([dst, jnp.full((e_pad - e,), n, jnp.int32)])
    src3 = src.reshape(_NW, ew // _K, _K)
    dst3 = dst.reshape(_NW, ew // _K, _K)

    c2 = curvature.reshape(1, 1)
    b2 = b.reshape(1, d)

    bn = 2000
    table = pl.pallas_call(
        _transform_body,
        grid=(n // bn,),
        in_specs=[
            pl.BlockSpec((bn, d), lambda i: (i, 0)),
            pl.BlockSpec((d, d), lambda i: (0, 0)),
            pl.BlockSpec((1, d), lambda i: (0, 0)),
            pl.BlockSpec((1, 1), lambda i: (0, 0)),
        ],
        out_specs=pl.BlockSpec((bn, d), lambda i: (i, 0)),
        out_shape=jax.ShapeDtypeStruct((n, d), jnp.float32),
    )(node_embeddings, W, b2, c2)

    zeros = jnp.zeros((_ZR, _D), jnp.float32)

    mesh = plsc.VectorSubcoreMesh(core_axis_name="c", subcore_axis_name="s")
    agg = functools.partial(
        pl.kernel,
        out_type=(
            jax.ShapeDtypeStruct((_NC * _ACC_R, _D), jnp.float32),
            jax.ShapeDtypeStruct((_NW, _HR, _K), jnp.float32),
        ),
        mesh=mesh,
        compiler_params=pltpu.CompilerParams(needs_layout_passes=False),
        scratch_types=[
            pltpu.VMEM((ew // _K, _K), jnp.int32),
            pltpu.VMEM((ew // _K, _K), jnp.int32),
            pltpu.VMEM((_K, _D), jnp.float32),
            pltpu.VMEM((_HR, _K), jnp.float32),
            pltpu.VMEM_SHARED((_ACC_R, _D), jnp.float32),
            pltpu.SemaphoreType.DMA,
        ],
    )(_aggregate_body)
    partial_sums, hists = agg(src3, dst3, table, zeros)

    bc = 5120
    out = pl.pallas_call(
        _combine_body,
        grid=(_ACC_R // bc,),
        in_specs=[
            pl.BlockSpec((_NC, bc, _D), lambda i: (0, i, 0)),
            pl.BlockSpec((bc, _NW), lambda i: (i, 0)),
            pl.BlockSpec((1, 1), lambda i: (0, 0)),
        ],
        out_specs=pl.BlockSpec((bc, d), lambda i: (i, 0)),
        out_shape=jax.ShapeDtypeStruct((n, d), jnp.float32),
    )(partial_sums.reshape(_NC, _ACC_R, _D),
      hists.reshape(_NW, _ACC_R).T, c2)

    return out

# --- scband reference (transcript-rebuilt; emitter-appended) ---
"""Pipeline reference for scband-htgn-47596827574589 (READ-ONLY COPY).

The authoritative reference and input builder live on the scoring server;
editing this copy changes nothing except your own understanding.
"""

import jax, jax.numpy as jnp
import numpy as np

N = 10000
E = 320000
D = 128


def mobius_addition(x, y, c):
    xy_dot = jnp.sum(x * y, axis=-1, keepdims=True)
    x_norm_sq = jnp.sum(x ** 2, axis=-1, keepdims=True)
    y_norm_sq = jnp.sum(y ** 2, axis=-1, keepdims=True)
    numerator = (1 + 2 * c * xy_dot + c * y_norm_sq) * x + (1 - c * x_norm_sq) * y
    denominator = 1 + 2 * c * xy_dot + c * c * x_norm_sq * y_norm_sq
    return numerator / denominator


def log_map(x, y, c):
    addition = mobius_addition(-x, y, c)
    addition_norm = jnp.linalg.norm(addition, axis=-1, keepdims=True)
    return 2 / jnp.sqrt(c) * jnp.arctanh(jnp.sqrt(c) * addition_norm) * addition / addition_norm


def exp_map(x, v, c):
    v_norm = jnp.linalg.norm(v, axis=-1, keepdims=True)
    second_term = jnp.tanh(jnp.sqrt(c) * v_norm / 2) * v / (jnp.sqrt(c) * v_norm)
    return mobius_addition(x, second_term, c)


def setup_inputs(seed: int = 0) -> dict:
    key = jax.random.key(seed)
    k1, k2, k3, k4 = jax.random.split(key, 4)
    edge_index = jax.random.randint(k1, (2, E), 0, N, dtype=jnp.int32).astype(jnp.int64)
    # node embeddings scaled small so hyperbolic norms stay inside the Poincare ball (||x|| < 1/sqrt(c))
    node_embeddings = jax.random.normal(k2, (N, D), dtype=jnp.float32) * 0.01
    W = jax.random.normal(k3, (D, D), dtype=jnp.float32) * (1.0 / np.sqrt(D))
    b = jax.random.normal(k4, (D,), dtype=jnp.float32) * 0.01
    # positive curvature magnitude so sqrt(c)/atanh are well-defined (original default -1.0 would NaN)
    curvature = jnp.array([1.0], dtype=jnp.float32)
    return {"edge_index": edge_index, "node_embeddings": node_embeddings, "W": W, "b": b, "curvature": curvature}


def reference(edge_index, node_embeddings, W, b, curvature):
    c = curvature
    x = node_embeddings
    origin = jnp.zeros_like(x[0])[None, :]
    # HyperbolicGraphNN.forward (first snapshot: no history, so updated_emb = current_emb)
    tangent_x = log_map(origin, x, c)
    transformed_x = tangent_x @ W.T + b
    src = edge_index[0]
    dst = edge_index[1]
    msgs = jnp.take(transformed_x, src, axis=0)  # fn.copy_u('h','m')
    summed = jax.ops.segment_sum(msgs, dst, num_segments=N)  # fn.mean aggregation: sum part
    counts = jax.ops.segment_sum(jnp.ones((E, 1), dtype=x.dtype), dst, num_segments=N)
    neigh_x = summed / jnp.maximum(counts, 1.0)  # mean; zero for isolated nodes like DGL
    new_x = exp_map(origin, neigh_x, c)
    return new_x

if __name__ == "__main__":
    import jax
    _d = setup_inputs()
    print(jax.jit(kernel)(*tuple(_d.values())))

</pallas_src>

<mosaic_0001>
#map = affine_map<(d0, d1) -> (0, 0, 0)>
#map1 = affine_map<(d0, d1) -> (0, 0)>
module attributes {stable_mosaic.version = 14 : i64} {
  func.func @_aggregate_body(%arg0: i32, %arg1: i32, %arg2: memref<32x79x128xi32, #tpu.memory_space<hbm>>, %arg3: memref<32x79x128xi32, #tpu.memory_space<hbm>>, %arg4: memref<10000x128xf32, #tpu.memory_space<hbm>>, %arg5: memref<640x128xf32, #tpu.memory_space<hbm>>, %arg6: memref<20480x128xf32, #tpu.memory_space<hbm>>, %arg7: memref<32x80x128xf32, #tpu.memory_space<hbm>>, %arg8: memref<79x128xi32, #tpu.memory_space<vmem>>, %arg9: memref<79x128xi32, #tpu.memory_space<vmem>>, %arg10: memref<128x128xf32, #tpu.memory_space<vmem>>, %arg11: memref<80x128xf32, #tpu.memory_space<vmem>>, %arg12: memref<10240x128xf32, #tpu.memory_space<vmem_shared>>, %arg13: memref<!tpu.dma_semaphore, #tpu.memory_space<semaphore_mem>>) attributes {dimension_semantics = [#tpu.dimension_semantics<core_parallel>, #tpu.dimension_semantics<subcore_parallel>], iteration_bounds = array<i64: 2, 16>, scalar_prefetch = 0 : i64, scratch_operands = 6 : i64, tpu.core_type = #tpu.core_type<sc_vector_subcore>, window_params = [{transform_indices = #map}, {transform_indices = #map}, {transform_indices = #map1}, {transform_indices = #map1}, {transform_indices = #map1}, {transform_indices = #map}]} {
    %mul3A = arith.constant 2 : i32
    %mul3A_0 = arith.muli %arg1, %mul3A : i32
    %add3A = arith.addi %mul3A_0, %arg0 : i32
    %mul3A_1 = arith.constant 640 : i32
    %mul3A_2 = arith.muli %arg1, %mul3A_1 : i32
    "tpu.region"() ({
      %run_scoped3A = tpu.sem_alloc : memref<!tpu.dma_semaphore, #tpu.memory_space<semaphore_mem>>
      %dma_start3A = arith.constant 0 : i32
      %dma_start3A_16 = tpu.memref_slice %arg12[%mul3A_2, %dma_start3A] : memref<10240x128xf32, #tpu.memory_space<vmem_shared>> -> memref<640x128xf32, #tpu.memory_space<vmem_shared>>
      tpu.enqueue_dma source(%arg5 : memref<640x128xf32, #tpu.memory_space<hbm>>) target(%dma_start3A_16 : memref<640x128xf32, #tpu.memory_space<vmem_shared>>) target_semaphore(%run_scoped3A : memref<!tpu.dma_semaphore, #tpu.memory_space<semaphore_mem>>)
      %dma_wait3A = arith.constant 0 : i32
      %dma_wait3A_17 = tpu.memref_slice %arg12[%mul3A_2, %dma_wait3A] : memref<10240x128xf32, #tpu.memory_space<vmem_shared>> -> memref<640x128xf32, #tpu.memory_space<vmem_shared>>
      tpu.wait_dma2 semaphore(%run_scoped3A : memref<!tpu.dma_semaphore, #tpu.memory_space<semaphore_mem>>) src(%arg5 : memref<640x128xf32, #tpu.memory_space<hbm>>) dst(%dma_wait3A_17 : memref<640x128xf32, #tpu.memory_space<vmem_shared>>)
      tpu.yield
    }) : () -> ()
    "tpu.region"() ({
      %run_scoped3A = tpu.sem_alloc : memref<!tpu.dma_semaphore, #tpu.memory_space<semaphore_mem>>
      %dma_start3A = arith.constant 0 : i32
      %dma_start3A_16 = arith.constant 0 : i32
      %dma_start3A_17 = tpu.memref_slice %arg5[%dma_start3A, %dma_start3A_16] : memref<640x128xf32, #tpu.memory_space<hbm>> -> memref<80x128xf32, #tpu.memory_space<hbm>>
      %dma_start3A_18 = arith.constant 0 : i32
      %dma_start3A_19 = arith.constant 0 : i32
      %dma_start3A_20 = tpu.memref_slice %arg5[%dma_start3A_18, %dma_start3A_19] : memref<640x128xf32, #tpu.memory_space<hbm>> -> memref<80x128xf32, #tpu.memory_space<hbm>>
      tpu.enqueue_dma source(%dma_start3A_20 : memref<80x128xf32, #tpu.memory_space<hbm>>) target(%arg11 : memref<80x128xf32, #tpu.memory_space<vmem>>) target_semaphore(%run_scoped3A : memref<!tpu.dma_semaphore, #tpu.memory_space<semaphore_mem>>)
      %dma_wait3A = arith.constant 0 : i32
      %dma_wait3A_21 = arith.constant 0 : i32
      %dma_wait3A_22 = tpu.memref_slice %arg5[%dma_wait3A, %dma_wait3A_21] : memref<640x128xf32, #tpu.memory_space<hbm>> -> memref<80x128xf32, #tpu.memory_space<hbm>>
      %dma_wait3A_23 = arith.constant 0 : i32
      %dma_wait3A_24 = arith.constant 0 : i32
      %dma_wait3A_25 = tpu.memref_slice %arg5[%dma_wait3A_23, %dma_wait3A_24] : memref<640x128xf32, #tpu.memory_space<hbm>> -> memref<80x128xf32, #tpu.memory_space<hbm>>
      tpu.wait_dma2 semaphore(%run_scoped3A : memref<!tpu.dma_semaphore, #tpu.memory_space<semaphore_mem>>) src(%dma_wait3A_25 : memref<80x128xf32, #tpu.memory_space<hbm>>) dst(%arg11 : memref<80x128xf32, #tpu.memory_space<vmem>>)
      tpu.yield
    }) : () -> ()
    %barrier3A = arith.constant 0 : index
    tpu.barrier barrier_id(%barrier3A)
    "tpu.region"() ({
      %run_scoped3A = tpu.sem_alloc : memref<!tpu.dma_semaphore, #tpu.memory_space<semaphore_mem>>
      %dma_start3A = arith.constant 0 : i32
      %dma_start3A_16 = arith.constant 0 : i32
      %dma_start3A_17 = tpu.memref_slice %arg2[%add3A, %dma_start3A, %dma_start3A_16] : memref<32x79x128xi32, #tpu.memory_space<hbm>> -> memref<1x79x128xi32, #tpu.memory_space<hbm>>
      %dma_start3A_18 = tpu.memref_squeeze %dma_start3A_17 : memref<1x79x128xi32, #tpu.memory_space<hbm>> -> memref<79x128xi32, #tpu.memory_space<hbm>>
      %dma_start3A_19 = arith.constant 0 : i32
      %dma_start3A_20 = arith.constant 0 : i32
      %dma_start3A_21 = tpu.memref_slice %arg2[%add3A, %dma_start3A_19, %dma_start3A_20] : memref<32x79x128xi32, #tpu.memory_space<hbm>> -> memref<1x79x128xi32, #tpu.memory_space<hbm>>
      %dma_start3A_22 = tpu.memref_squeeze %dma_start3A_21 : memref<1x79x128xi32, #tpu.memory_space<hbm>> -> memref<79x128xi32, #tpu.memory_space<hbm>>
      tpu.enqueue_dma source(%dma_start3A_22 : memref<79x128xi32, #tpu.memory_space<hbm>>) target(%arg8 : memref<79x128xi32, #tpu.memory_space<vmem>>) target_semaphore(%run_scoped3A : memref<!tpu.dma_semaphore, #tpu.memory_space<semaphore_mem>>)
      %dma_wait3A = arith.constant 0 : i32
      %dma_wait3A_23 = arith.constant 0 : i32
      %dma_wait3A_24 = tpu.memref_slice %arg2[%add3A, %dma_wait3A, %dma_wait3A_23] : memref<32x79x128xi32, #tpu.memory_space<hbm>> -> memref<1x79x128xi32, #tpu.memory_space<hbm>>
      %dma_wait3A_25 = tpu.memref_squeeze %dma_wait3A_24 : memref<1x79x128xi32, #tpu.memory_space<hbm>> -> memref<79x128xi32, #tpu.memory_space<hbm>>
      %dma_wait3A_26 = arith.constant 0 : i32
      %dma_wait3A_27 = arith.constant 0 : i32
      %dma_wait3A_28 = tpu.memref_slice %arg2[%add3A, %dma_wait3A_26, %dma_wait3A_27] : memref<32x79x128xi32, #tpu.memory_space<hbm>> -> memref<1x79x128xi32, #tpu.memory_space<hbm>>
      %dma_wait3A_29 = tpu.memref_squeeze %dma_wait3A_28 : memref<1x79x128xi32, #tpu.memory_space<hbm>> -> memref<79x128xi32, #tpu.memory_space<hbm>>
      tpu.wait_dma2 semaphore(%run_scoped3A : memref<!tpu.dma_semaphore, #tpu.memory_space<semaphore_mem>>) src(%dma_wait3A_29 : memref<79x128xi32, #tpu.memory_space<hbm>>) dst(%arg8 : memref<79x128xi32, #tpu.memory_space<vmem>>)
      tpu.yield
    }) : () -> ()
    "tpu.region"() ({
      %run_scoped3A = tpu.sem_alloc : memref<!tpu.dma_semaphore, #tpu.memory_space<semaphore_mem>>
      %dma_start3A = arith.constant 0 : i32
      %dma_start3A_16 = arith.constant 0 : i32
      %dma_start3A_17 = tpu.memref_slice %arg3[%add3A, %dma_start3A, %dma_start3A_16] : memref<32x79x128xi32, #tpu.memory_space<hbm>> -> memref<1x79x128xi32, #tpu.memory_space<hbm>>
      %dma_start3A_18 = tpu.memref_squeeze %dma_start3A_17 : memref<1x79x128xi32, #tpu.memory_space<hbm>> -> memref<79x128xi32, #tpu.memory_space<hbm>>
      %dma_start3A_19 = arith.constant 0 : i32
      %dma_start3A_20 = arith.constant 0 : i32
      %dma_start3A_21 = tpu.memref_slice %arg3[%add3A, %dma_start3A_19, %dma_start3A_20] : memref<32x79x128xi32, #tpu.memory_space<hbm>> -> memref<1x79x128xi32, #tpu.memory_space<hbm>>
      %dma_start3A_22 = tpu.memref_squeeze %dma_start3A_21 : memref<1x79x128xi32, #tpu.memory_space<hbm>> -> memref<79x128xi32, #tpu.memory_space<hbm>>
      tpu.enqueue_dma source(%dma_start3A_22 : memref<79x128xi32, #tpu.memory_space<hbm>>) target(%arg9 : memref<79x128xi32, #tpu.memory_space<vmem>>) target_semaphore(%run_scoped3A : memref<!tpu.dma_semaphore, #tpu.memory_space<semaphore_mem>>)
      %dma_wait3A = arith.constant 0 : i32
      %dma_wait3A_23 = arith.constant 0 : i32
      %dma_wait3A_24 = tpu.memref_slice %arg3[%add3A, %dma_wait3A, %dma_wait3A_23] : memref<32x79x128xi32, #tpu.memory_space<hbm>> -> memref<1x79x128xi32, #tpu.memory_space<hbm>>
      %dma_wait3A_25 = tpu.memref_squeeze %dma_wait3A_24 : memref<1x79x128xi32, #tpu.memory_space<hbm>> -> memref<79x128xi32, #tpu.memory_space<hbm>>
      %dma_wait3A_26 = arith.constant 0 : i32
      %dma_wait3A_27 = arith.constant 0 : i32
      %dma_wait3A_28 = tpu.memref_slice %arg3[%add3A, %dma_wait3A_26, %dma_wait3A_27] : memref<32x79x128xi32, #tpu.memory_space<hbm>> -> memref<1x79x128xi32, #tpu.memory_space<hbm>>
      %dma_wait3A_29 = tpu.memref_squeeze %dma_wait3A_28 : memref<1x79x128xi32, #tpu.memory_space<hbm>> -> memref<79x128xi32, #tpu.memory_space<hbm>>
      tpu.wait_dma2 semaphore(%run_scoped3A : memref<!tpu.dma_semaphore, #tpu.memory_space<semaphore_mem>>) src(%dma_wait3A_29 : memref<79x128xi32, #tpu.memory_space<hbm>>) dst(%arg9 : memref<79x128xi32, #tpu.memory_space<vmem>>)
      tpu.yield
    }) : () -> ()
    %scan3A = arith.constant 0 : i32
    %scan3A_3 = arith.constant 0 : i32
    %scan3A_4 = arith.constant 79 : i32
    %scan3A_5 = arith.addi %scan3A_3, %scan3A_4 : i32
    %scan3A_6 = arith.constant 1 : i32
    scf.for %scan3A_16 = %scan3A_3 to %scan3A_5 step %scan3A_6  : i32 {
      %dma_start3A = arith.constant 0 : i32
      %dma_start3A_17 = tpu.memref_slice %arg8[%scan3A_16, %dma_start3A] : memref<79x128xi32, #tpu.memory_space<vmem>> -> memref<1x128xi32, #tpu.memory_space<vmem>>
      %dma_start3A_18 = tpu.memref_squeeze %dma_start3A_17 : memref<1x128xi32, #tpu.memory_space<vmem>> -> memref<128xi32, #tpu.memory_space<vmem>>
      %dma_start3A_19 = arith.constant 0 : i32
      %dma_start3A_20 = arith.constant 0 : i32
      %dma_start3A_21 = tpu.memref_slice %arg4[%dma_start3A_19, %dma_start3A_20] : memref<10000x128xf32, #tpu.memory_space<hbm>> -> memref<10000x128xf32, #tpu.memory_space<hbm>>
      tpu.enqueue_indirect_dma source(%dma_start3A_21 : memref<10000x128xf32, #tpu.memory_space<hbm>>) target(%arg10 : memref<128x128xf32, #tpu.memory_space<vmem>>) offsets(%dma_start3A_18 : memref<128xi32, #tpu.memory_space<vmem>>) semaphore(%arg13 : memref<!tpu.dma_semaphore, #tpu.memory_space<semaphore_mem>>)
      %get3A = arith.index_cast %scan3A_16 : i32 to index
      %get3A_22 = arith.constant 0 : index
      %get3A_23 = tpu.vector_load %arg9[%get3A, %get3A_22] {strides = array<i32>} : memref<79x128xi32, #tpu.memory_space<vmem>>, vector<16xi32>,
      %broadcast_in_dim3A = arith.constant true
      %broadcast_in_dim3A_24 = vector.broadcast %broadcast_in_dim3A : i1 to vector<16xi1>
      %unique3A, %unique3A_25 = tpu.scan_count mask(%broadcast_in_dim3A_24 : vector<16xi1>) value(%get3A_23 : vector<16xi32>) : vector<16xi1>, vector<16xi32>
      %shift_right_logical3A = arith.constant 7 : i32
      %shift_right_logical3A_26 = vector.broadcast %shift_right_logical3A : i32 to vector<16xi32>
      %shift_right_logical3A_27 = arith.shrui %get3A_23, %shift_right_logical3A_26 : vector<16xi32>
      %and3A = arith.constant 127 : i32
      %and3A_28 = vector.broadcast %and3A : i32 to vector<16xi32>
      %and3A_29 = arith.andi %get3A_23, %and3A_28 : vector<16xi32>
      %convert_element_type3A = arith.sitofp %unique3A_25 : vector<16xi32> to vector<16xf32>
      tpu.vector_store_idx %arg11[%shift_right_logical3A_27, %and3A_29], %convert_element_type3A masked %unique3A {add = true} : memref<80x128xf32, #tpu.memory_space<vmem>>[vector<16xi32>, vector<16xi32>], vector<16xf32>, vector<16xi1>
      %get3A_30 = arith.index_cast %scan3A_16 : i32 to index
      %get3A_31 = arith.constant 16 : index
      %get3A_32 = tpu.vector_load %arg9[%get3A_30, %get3A_31] {strides = array<i32>} : memref<79x128xi32, #tpu.memory_space<vmem>>, vector<16xi32>,
      %broadcast_in_dim3A_33 = arith.constant true
      %broadcast_in_dim3A_34 = vector.broadcast %broadcast_in_dim3A_33 : i1 to vector<16xi1>
      %unique3A_35, %unique3A_36 = tpu.scan_count mask(%broadcast_in_dim3A_34 : vector<16xi1>) value(%get3A_32 : vector<16xi32>) : vector<16xi1>, vector<16xi32>
      %shift_right_logical3A_37 = arith.constant 7 : i32
      %shift_right_logical3A_38 = vector.broadcast %shift_right_logical3A_37 : i32 to vector<16xi32>
      %shift_right_logical3A_39 = arith.shrui %get3A_32, %shift_right_logical3A_38 : vector<16xi32>
      %and3A_40 = arith.constant 127 : i32
      %and3A_41 = vector.broadcast %and3A_40 : i32 to vector<16xi32>
      %and3A_42 = arith.andi %get3A_32, %and3A_41 : vector<16xi32>
      %convert_element_type3A_43 = arith.sitofp %unique3A_36 : vector<16xi32> to vector<16xf32>
      tpu.vector_store_idx %arg11[%shift_right_logical3A_39, %and3A_42], %convert_element_type3A_43 masked %unique3A_35 {add = true} : memref<80x128xf32, #tpu.memory_space<vmem>>[vector<16xi32>, vector<16xi32>], vector<16xf32>, vector<16xi1>
      %get3A_44 = arith.index_cast %scan3A_16 : i32 to index
      %get3A_45 = arith.constant 32 : index
      %get3A_46 = tpu.vector_load %arg9[%get3A_44, %get3A_45] {strides = array<i32>} : memref<79x128xi32, #tpu.memory_space<vmem>>, vector<16xi32>,
      %broadcast_in_dim3A_47 = arith.constant true
      %broadcast_in_dim3A_48 = vector.broadcast %broadcast_in_dim3A_47 : i1 to vector<16xi1>
      %unique3A_49, %unique3A_50 = tpu.scan_count mask(%broadcast_in_dim3A_48 : vector<16xi1>) value(%get3A_46 : vector<16xi32>) : vector<16xi1>, vector<16xi32>
      %shift_right_logical3A_51 = arith.constant 7 : i32
      %shift_right_logical3A_52 = vector.broadcast %shift_right_logical3A_51 : i32 to vector<16xi32>
      %shift_right_logical3A_53 = arith.shrui %get3A_46, %shift_right_logical3A_52 : vector<16xi32>
      %and3A_54 = arith.constant 127 : i32
      %and3A_55 = vector.broadcast %and3A_54 : i32 to vector<16xi32>
      %and3A_56 = arith.andi %get3A_46, %and3A_55 : vector<16xi32>
      %convert_element_type3A_57 = arith.sitofp %unique3A_50 : vector<16xi32> to vector<16xf32>
      tpu.vector_store_idx %arg11[%shift_right_logical3A_53, %and3A_56], %convert_element_type3A_57 masked %unique3A_49 {add = true} : memref<80x128xf32, #tpu.memory_space<vmem>>[vector<16xi32>, vector<16xi32>], vector<16xf32>, vector<16xi1>
      %get3A_58 = arith.index_cast %scan3A_16 : i32 to index
      %get3A_59 = arith.constant 48 : index
      %get3A_60 = tpu.vector_load %arg9[%get3A_58, %get3A_59] {strides = array<i32>} : memref<79x128xi32, #tpu.memory_space<vmem>>, vector<16xi32>,
      %broadcast_in_dim3A_61 = arith.constant true
      %broadcast_in_dim3A_62 = vector.broadcast %broadcast_in_dim3A_61 : i1 to vector<16xi1>
      %unique3A_63, %unique3A_64 = tpu.scan_count mask(%broadcast_in_dim3A_62 : vector<16xi1>) value(%get3A_60 : vector<16xi32>) : vector<16xi1>, vector<16xi32>
      %shift_right_logical3A_65 = arith.constant 7 : i32
      %shift_right_logical3A_66 = vector.broadcast %shift_right_logical3A_65 : i32 to vector<16xi32>
      %shift_right_logical3A_67 = arith.shrui %get3A_60, %shift_right_logical3A_66 : vector<16xi32>
      %and3A_68 = arith.constant 127 : i32
      %and3A_69 = vector.broadcast %and3A_68 : i32 to vector<16xi32>
      %and3A_70 = arith.andi %get3A_60, %and3A_69 : vector<16xi32>
      %convert_element_type3A_71 = arith.sitofp %unique3A_64 : vector<16xi32> to vector<16xf32>
      tpu.vector_store_idx %arg11[%shift_right_logical3A_67, %and3A_70], %convert_element_type3A_71 masked %unique3A_63 {add = true} : memref<80x128xf32, #tpu.memory_space<vmem>>[vector<16xi32>, vector<16xi32>], vector<16xf32>, vector<16xi1>
      %get3A_72 = arith.index_cast %scan3A_16 : i32 to index
      %get3A_73 = arith.constant 64 : index
      %get3A_74 = tpu.vector_load %arg9[%get3A_72, %get3A_73] {strides = array<i32>} : memref<79x128xi32, #tpu.memory_space<vmem>>, vector<16xi32>,
      %broadcast_in_dim3A_75 = arith.constant true
      %broadcast_in_dim3A_76 = vector.broadcast %broadcast_in_dim3A_75 : i1 to vector<16xi1>
      %unique3A_77, %unique3A_78 = tpu.scan_count mask(%broadcast_in_dim3A_76 : vector<16xi1>) value(%get3A_74 : vector<16xi32>) : vector<16xi1>, vector<16xi32>
      %shift_right_logical3A_79 = arith.constant 7 : i32
      %shift_right_logical3A_80 = vector.broadcast %shift_right_logical3A_79 : i32 to vector<16xi32>
      %shift_right_logical3A_81 = arith.shrui %get3A_74, %shift_right_logical3A_80 : vector<16xi32>
      %and3A_82 = arith.constant 127 : i32
      %and3A_83 = vector.broadcast %and3A_82 : i32 to vector<16xi32>
      %and3A_84 = arith.andi %get3A_74, %and3A_83 : vector<16xi32>
      %convert_element_type3A_85 = arith.sitofp %unique3A_78 : vector<16xi32> to vector<16xf32>
      tpu.vector_store_idx %arg11[%shift_right_logical3A_81, %and3A_84], %convert_element_type3A_85 masked %unique3A_77 {add = true} : memref<80x128xf32, #tpu.memory_space<vmem>>[vector<16xi32>, vector<16xi32>], vector<16xf32>, vector<16xi1>
      %get3A_86 = arith.index_cast %scan3A_16 : i32 to index
      %get3A_87 = arith.constant 80 : index
      %get3A_88 = tpu.vector_load %arg9[%get3A_86, %get3A_87] {strides = array<i32>} : memref<79x128xi32, #tpu.memory_space<vmem>>, vector<16xi32>,
      %broadcast_in_dim3A_89 = arith.constant true
      %broadcast_in_dim3A_90 = vector.broadcast %broadcast_in_dim3A_89 : i1 to vector<16xi1>
      %unique3A_91, %unique3A_92 = tpu.scan_count mask(%broadcast_in_dim3A_90 : vector<16xi1>) value(%get3A_88 : vector<16xi32>) : vector<16xi1>, vector<16xi32>
      %shift_right_logical3A_93 = arith.constant 7 : i32
      %shift_right_logical3A_94 = vector.broadcast %shift_right_logical3A_93 : i32 to vector<16xi32>
      %shift_right_logical3A_95 = arith.shrui %get3A_88, %shift_right_logical3A_94 : vector<16xi32>
      %and3A_96 = arith.constant 127 : i32
      %and3A_97 = vector.broadcast %and3A_96 : i32 to vector<16xi32>
      %and3A_98 = arith.andi %get3A_88, %and3A_97 : vector<16xi32>
      %convert_element_type3A_99 = arith.sitofp %unique3A_92 : vector<16xi32> to vector<16xf32>
      tpu.vector_store_idx %arg11[%shift_right_logical3A_95, %and3A_98], %convert_element_type3A_99 masked %unique3A_91 {add = true} : memref<80x128xf32, #tpu.memory_space<vmem>>[vector<16xi32>, vector<16xi32>], vector<16xf32>, vector<16xi1>
      %get3A_100 = arith.index_cast %scan3A_16 : i32 to index
      %get3A_101 = arith.constant 96 : index
      %get3A_102 = tpu.vector_load %arg9[%get3A_100, %get3A_101] {strides = array<i32>} : memref<79x128xi32, #tpu.memory_space<vmem>>, vector<16xi32>,
      %broadcast_in_dim3A_103 = arith.constant true
      %broadcast_in_dim3A_104 = vector.broadcast %broadcast_in_dim3A_103 : i1 to vector<16xi1>
      %unique3A_105, %unique3A_106 = tpu.scan_count mask(%broadcast_in_dim3A_104 : vector<16xi1>) value(%get3A_102 : vector<16xi32>) : vector<16xi1>, vector<16xi32>
      %shift_right_logical3A_107 = arith.constant 7 : i32
      %shift_right_logical3A_108 = vector.broadcast %shift_right_logical3A_107 : i32 to vector<16xi32>
      %shift_right_logical3A_109 = arith.shrui %get3A_102, %shift_right_logical3A_108 : vector<16xi32>
      %and3A_110 = arith.constant 127 : i32
      %and3A_111 = vector.broadcast %and3A_110 : i32 to vector<16xi32>
      %and3A_112 = arith.andi %get3A_102, %and3A_111 : vector<16xi32>
      %convert_element_type3A_113 = arith.sitofp %unique3A_106 : vector<16xi32> to vector<16xf32>
      tpu.vector_store_idx %arg11[%shift_right_logical3A_109, %and3A_112], %convert_element_type3A_113 masked %unique3A_105 {add = true} : memref<80x128xf32, #tpu.memory_space<vmem>>[vector<16xi32>, vector<16xi32>], vector<16xf32>, vector<16xi1>
      %get3A_114 = arith.index_cast %scan3A_16 : i32 to index
      %get3A_115 = arith.constant 112 : index
      %get3A_116 = tpu.vector_load %arg9[%get3A_114, %get3A_115] {strides = array<i32>} : memref<79x128xi32, #tpu.memory_space<vmem>>, vector<16xi32>,
      %broadcast_in_dim3A_117 = arith.constant true
      %broadcast_in_dim3A_118 = vector.broadcast %broadcast_in_dim3A_117 : i1 to vector<16xi1>
      %unique3A_119, %unique3A_120 = tpu.scan_count mask(%broadcast_in_dim3A_118 : vector<16xi1>) value(%get3A_116 : vector<16xi32>) : vector<16xi1>, vector<16xi32>
      %shift_right_logical3A_121 = arith.constant 7 : i32
      %shift_right_logical3A_122 = vector.broadcast %shift_right_logical3A_121 : i32 to vector<16xi32>
      %shift_right_logical3A_123 = arith.shrui %get3A_116, %shift_right_logical3A_122 : vector<16xi32>
      %and3A_124 = arith.constant 127 : i32
      %and3A_125 = vector.broadcast %and3A_124 : i32 to vector<16xi32>
      %and3A_126 = arith.andi %get3A_116, %and3A_125 : vector<16xi32>
      %convert_element_type3A_127 = arith.sitofp %unique3A_120 : vector<16xi32> to vector<16xf32>
      tpu.vector_store_idx %arg11[%shift_right_logical3A_123, %and3A_126], %convert_element_type3A_127 masked %unique3A_119 {add = true} : memref<80x128xf32, #tpu.memory_space<vmem>>[vector<16xi32>, vector<16xi32>], vector<16xf32>, vector<16xi1>
      %dma_wait3A = arith.constant 0 : i32
      %dma_wait3A_128 = tpu.memref_slice %arg8[%scan3A_16, %dma_wait3A] : memref<79x128xi32, #tpu.memory_space<vmem>> -> memref<1x128xi32, #tpu.memory_space<vmem>>
      %dma_wait3A_129 = tpu.memref_squeeze %dma_wait3A_128 : memref<1x128xi32, #tpu.memory_space<vmem>> -> memref<128xi32, #tpu.memory_space<vmem>>
      %dma_wait3A_130 = arith.constant 0 : i32
      %dma_wait3A_131 = arith.constant 0 : i32
      %dma_wait3A_132 = tpu.memref_slice %arg4[%dma_wait3A_130, %dma_wait3A_131] : memref<10000x128xf32, #tpu.memory_space<hbm>> -> memref<10000x128xf32, #tpu.memory_space<hbm>>
      tpu.wait_indirect_dma semaphore(%arg13 : memref<!tpu.dma_semaphore, #tpu.memory_space<semaphore_mem>>) src(%dma_wait3A_132 : memref<10000x128xf32, #tpu.memory_space<hbm>>) dst(%arg10 : memref<128x128xf32, #tpu.memory_space<vmem>>)
      "tpu.region"() ({
        %run_scoped3A = tpu.sem_alloc : memref<!tpu.dma_semaphore, #tpu.memory_space<semaphore_mem>>
        %dma_start3A_133 = arith.constant 0 : i32
        %dma_start3A_134 = tpu.memref_slice %arg9[%scan3A_16, %dma_start3A_133] : memref<79x128xi32, #tpu.memory_space<vmem>> -> memref<1x128xi32, #tpu.memory_space<vmem>>
        %dma_start3A_135 = tpu.memref_squeeze %dma_start3A_134 : memref<1x128xi32, #tpu.memory_space<vmem>> -> memref<128xi32, #tpu.memory_space<vmem>>
        %dma_start3A_136 = arith.constant 0 : i32
        %dma_start3A_137 = arith.constant 0 : i32
        %dma_start3A_138 = tpu.memref_slice %arg12[%dma_start3A_136, %dma_start3A_137] : memref<10240x128xf32, #tpu.memory_space<vmem_shared>> -> memref<10240x128xf32, #tpu.memory_space<vmem_shared>>
        tpu.enqueue_indirect_dma source(%arg10 : memref<128x128xf32, #tpu.memory_space<vmem>>) target(%dma_start3A_138 : memref<10240x128xf32, #tpu.memory_space<vmem_shared>>) offsets(%dma_start3A_135 : memref<128xi32, #tpu.memory_space<vmem>>) semaphore(%run_scoped3A : memref<!tpu.dma_semaphore, #tpu.memory_space<semaphore_mem>>) {add = true}
        %dma_wait3A_139 = arith.constant 0 : i32
        %dma_wait3A_140 = tpu.memref_slice %arg9[%scan3A_16, %dma_wait3A_139] : memref<79x128xi32, #tpu.memory_space<vmem>> -> memref<1x128xi32, #tpu.memory_space<vmem>>
        %dma_wait3A_141 = tpu.memref_squeeze %dma_wait3A_140 : memref<1x128xi32, #tpu.memory_space<vmem>> -> memref<128xi32, #tpu.memory_space<vmem>>
        %dma_wait3A_142 = arith.constant 0 : i32
        %dma_wait3A_143 = arith.constant 0 : i32
        %dma_wait3A_144 = tpu.memref_slice %arg12[%dma_wait3A_142, %dma_wait3A_143] : memref<10240x128xf32, #tpu.memory_space<vmem_shared>> -> memref<10240x128xf32, #tpu.memory_space<vmem_shared>>
        tpu.wait_indirect_dma semaphore(%run_scoped3A : memref<!tpu.dma_semaphore, #tpu.memory_space<semaphore_mem>>) src(%arg10 : memref<128x128xf32, #tpu.memory_space<vmem>>) dst(%dma_wait3A_144 : memref<10240x128xf32, #tpu.memory_space<vmem_shared>>)
        tpu.yield
      }) : () -> ()
    }
    %scan3A_7 = arith.constant 79 : i32
    %barrier3A_8 = arith.constant 0 : index
    tpu.barrier barrier_id(%barrier3A_8)
    %mul3A_9 = arith.constant 640 : i32
    %mul3A_10 = arith.muli %arg1, %mul3A_9 : i32
    %mul3A_11 = arith.constant 10240 : i32
    %mul3A_12 = arith.muli %arg0, %mul3A_11 : i32
    %mul3A_13 = arith.constant 640 : i32
    %mul3A_14 = arith.muli %arg1, %mul3A_13 : i32
    %add3A_15 = arith.addi %mul3A_12, %mul3A_14 : i32
    "tpu.region"() ({
      %run_scoped3A = tpu.sem_alloc : memref<!tpu.dma_semaphore, #tpu.memory_space<semaphore_mem>>
      %dma_start3A = arith.constant 0 : i32
      %dma_start3A_16 = tpu.memref_slice %arg6[%add3A_15, %dma_start3A] : memref<20480x128xf32, #tpu.memory_space<hbm>> -> memref<640x128xf32, #tpu.memory_space<hbm>>
      %dma_start3A_17 = arith.constant 0 : i32
      %dma_start3A_18 = tpu.memref_slice %arg12[%mul3A_10, %dma_start3A_17] : memref<10240x128xf32, #tpu.memory_space<vmem_shared>> -> memref<640x128xf32, #tpu.memory_space<vmem_shared>>
      tpu.enqueue_dma source(%dma_start3A_18 : memref<640x128xf32, #tpu.memory_space<vmem_shared>>) target(%dma_start3A_16 : memref<640x128xf32, #tpu.memory_space<hbm>>) target_semaphore(%run_scoped3A : memref<!tpu.dma_semaphore, #tpu.memory_space<semaphore_mem>>)
      %dma_wait3A = arith.constant 0 : i32
      %dma_wait3A_19 = tpu.memref_slice %arg6[%add3A_15, %dma_wait3A] : memref<20480x128xf32, #tpu.memory_space<hbm>> -> memref<640x128xf32, #tpu.memory_space<hbm>>
      %dma_wait3A_20 = arith.constant 0 : i32
      %dma_wait3A_21 = tpu.memref_slice %arg12[%mul3A_10, %dma_wait3A_20] : memref<10240x128xf32, #tpu.memory_space<vmem_shared>> -> memref<640x128xf32, #tpu.memory_space<vmem_shared>>
      tpu.wait_dma2 semaphore(%run_scoped3A : memref<!tpu.dma_semaphore, #tpu.memory_space<semaphore_mem>>) src(%dma_wait3A_21 : memref<640x128xf32, #tpu.memory_space<vmem_shared>>) dst(%dma_wait3A_19 : memref<640x128xf32, #tpu.memory_space<hbm>>)
      tpu.yield
    }) : () -> ()
    "tpu.region"() ({
      %run_scoped3A = tpu.sem_alloc : memref<!tpu.dma_semaphore, #tpu.memory_space<semaphore_mem>>
      %dma_start3A = arith.constant 0 : i32
      %dma_start3A_16 = arith.constant 0 : i32
      %dma_start3A_17 = tpu.memref_slice %arg7[%add3A, %dma_start3A, %dma_start3A_16] : memref<32x80x128xf32, #tpu.memory_space<hbm>> -> memref<1x80x128xf32, #tpu.memory_space<hbm>>
      %dma_start3A_18 = tpu.memref_squeeze %dma_start3A_17 : memref<1x80x128xf32, #tpu.memory_space<hbm>> -> memref<80x128xf32, #tpu.memory_space<hbm>>
      %dma_start3A_19 = arith.constant 0 : i32
      %dma_start3A_20 = arith.constant 0 : i32
      %dma_start3A_21 = tpu.memref_slice %arg7[%add3A, %dma_start3A_19, %dma_start3A_20] : memref<32x80x128xf32, #tpu.memory_space<hbm>> -> memref<1x80x128xf32, #tpu.memory_space<hbm>>
      %dma_start3A_22 = tpu.memref_squeeze %dma_start3A_21 : memref<1x80x128xf32, #tpu.memory_space<hbm>> -> memref<80x128xf32, #tpu.memory_space<hbm>>
      tpu.enqueue_dma source(%arg11 : memref<80x128xf32, #tpu.memory_space<vmem>>) target(%dma_start3A_22 : memref<80x128xf32, #tpu.memory_space<hbm>>) target_semaphore(%run_scoped3A : memref<!tpu.dma_semaphore, #tpu.memory_space<semaphore_mem>>)
      %dma_wait3A = arith.constant 0 : i32
      %dma_wait3A_23 = arith.constant 0 : i32
      %dma_wait3A_24 = tpu.memref_slice %arg7[%add3A, %dma_wait3A, %dma_wait3A_23] : memref<32x80x128xf32, #tpu.memory_space<hbm>> -> memref<1x80x128xf32, #tpu.memory_space<hbm>>
      %dma_wait3A_25 = tpu.memref_squeeze %dma_wait3A_24 : memref<1x80x128xf32, #tpu.memory_space<hbm>> -> memref<80x128xf32, #tpu.memory_space<hbm>>
      %dma_wait3A_26 = arith.constant 0 : i32
      %dma_wait3A_27 = arith.constant 0 : i32
      %dma_wait3A_28 = tpu.memref_slice %arg7[%add3A, %dma_wait3A_26, %dma_wait3A_27] : memref<32x80x128xf32, #tpu.memory_space<hbm>> -> memref<1x80x128xf32, #tpu.memory_space<hbm>>
      %dma_wait3A_29 = tpu.memref_squeeze %dma_wait3A_28 : memref<1x80x128xf32, #tpu.memory_space<hbm>> -> memref<80x128xf32, #tpu.memory_space<hbm>>
      tpu.wait_dma2 semaphore(%run_scoped3A : memref<!tpu.dma_semaphore, #tpu.memory_space<semaphore_mem>>) src(%arg11 : memref<80x128xf32, #tpu.memory_space<vmem>>) dst(%dma_wait3A_29 : memref<80x128xf32, #tpu.memory_space<hbm>>)
      tpu.yield
    }) : () -> ()
    return
  }
}

module attributes {stable_mosaic.version = 14 : i64} {
  func.func @_transform_body(%arg0: i32, %arg1: memref<2000x128xf32, #tpu.memory_space<vmem>>, %arg2: memref<128x128xf32, #tpu.memory_space<vmem>>, %arg3: memref<1x128xf32, #tpu.memory_space<vmem>>, %arg4: memref<1x1xf32, #tpu.memory_space<vmem>>, %arg5: memref<2000x128xf32, #tpu.memory_space<vmem>>) attributes {dimension_semantics = [#tpu.dimension_semantics<arbitrary>], iteration_bounds = array<i64: 5>, scalar_prefetch = 0 : i64, scratch_operands = 0 : i64, tpu.core_type = #tpu.core_type<tc>, window_params = [{transform_indices = @transform_0, window_bounds = array<i64: 2000, 128>}, {pipeline_mode = #tpu.pipeline_mode<synchronous>, transform_indices = @transform_1, window_bounds = array<i64: 128, 128>}, {pipeline_mode = #tpu.pipeline_mode<synchronous>, transform_indices = @transform_2, window_bounds = array<i64: 1, 128>}, {pipeline_mode = #tpu.pipeline_mode<synchronous>, transform_indices = @transform_3, window_bounds = array<i64: 1, 1>}, {transform_indices = @transform_4, window_bounds = array<i64: 2000, 128>}]} {
    %get3A = arith.constant 0 : index
    %get3A_0 = arith.constant 0 : index
    %get3A_1 = vector.load %arg1[%get3A, %get3A_0] : memref<2000x128xf32, #tpu.memory_space<vmem>>, vector<2000x128xf32>
    %get3A_2 = arith.constant 0 : index
    %get3A_3 = arith.constant 0 : index
    %get3A_4 = vector.load %arg4[%get3A_2, %get3A_3] : memref<1x1xf32, #tpu.memory_space<vmem>>, vector<1x1xf32>
    %get3A_5 = vector.extract %get3A_4[0, 0] : f32 from vector<1x1xf32>
    %sqrt3A = math.sqrt %get3A_5 : f32
    %mul3A = arith.mulf %get3A_1, %get3A_1 : vector<2000x128xf32>
    %reduce_sum3A = arith.constant dense<0.000000e+00> : vector<2000xf32>
    %reduce_sum3A_6 = vector.multi_reduction <add>, %mul3A, %reduce_sum3A [1] : vector<2000x128xf32> to vector<2000xf32>
    %broadcast_in_dim3A = vector.shape_cast %reduce_sum3A_6 : vector<2000xf32> to vector<2000x1xf32>
    %sqrt3A_7 = math.sqrt %broadcast_in_dim3A : vector<2000x1xf32>
    %mul3A_8 = vector.broadcast %sqrt3A : f32 to vector<2000x1xf32>
    %mul3A_9 = arith.mulf %mul3A_8, %sqrt3A_7 : vector<2000x1xf32>
    %add3A = arith.constant 1.000000e+00 : f32
    %add3A_10 = vector.broadcast %add3A : f32 to vector<2000x1xf32>
    %add3A_11 = arith.addf %add3A_10, %mul3A_9 : vector<2000x1xf32>
    %sub3A = arith.constant 1.000000e+00 : f32
    %sub3A_12 = vector.broadcast %sub3A : f32 to vector<2000x1xf32>
    %sub3A_13 = arith.subf %sub3A_12, %mul3A_9 : vector<2000x1xf32>
    %div3A = arith.divf %add3A_11, %sub3A_13 : vector<2000x1xf32>
    %log3A = math.log %div3A : vector<2000x1xf32>
    %mul3A_14 = arith.constant 5.000000e-01 : f32
    %mul3A_15 = vector.broadcast %mul3A_14 : f32 to vector<2000x1xf32>
    %mul3A_16 = arith.mulf %mul3A_15, %log3A : vector<2000x1xf32>
    %div3A_17 = arith.constant 2.000000e+00 : f32
    %div3A_18 = arith.divf %div3A_17, %sqrt3A : f32
    %mul3A_19 = vector.broadcast %div3A_18 : f32 to vector<2000x1xf32>
    %mul3A_20 = arith.mulf %mul3A_19, %mul3A_16 : vector<2000x1xf32>
    %mul3A_21 = vector.broadcast %mul3A_20 : vector<2000x1xf32> to vector<2000x128xf32>
    %mul3A_22 = arith.mulf %mul3A_21, %get3A_1 : vector<2000x128xf32>
    %div3A_23 = vector.broadcast %sqrt3A_7 : vector<2000x1xf32> to vector<2000x128xf32>
    %div3A_24 = arith.divf %mul3A_22, %div3A_23 : vector<2000x128xf32>
    %get3A_25 = arith.constant 0 : index
    %get3A_26 = arith.constant 0 : index
    %get3A_27 = vector.load %arg2[%get3A_25, %get3A_26] : memref<128x128xf32, #tpu.memory_space<vmem>>, vector<128x128xf32>
    %dot_general3A = arith.constant dense<0.000000e+00> : vector<2000x128xf32>
    %dot_general3A_28 = tpu.matmul %div3A_24, %get3A_27, %dot_general3A {dimension_numbers = #tpu.dot_dimension_numbers<[1], [1], [0], [0], [0, 0, 1, 0], [], []>, transpose_lhs_hint = false} : vector<2000x128xf32>, vector<128x128xf32>, vector<2000x128xf32> -> vector<2000x128xf32>
    %get3A_29 = arith.constant 0 : index
    %get3A_30 = arith.constant 0 : index
    %get3A_31 = vector.load %arg3[%get3A_29, %get3A_30] : memref<1x128xf32, #tpu.memory_space<vmem>>, vector<1x128xf32>
    %add3A_32 = vector.broadcast %get3A_31 : vector<1x128xf32> to vector<2000x128xf32>
    %add3A_33 = arith.addf %dot_general3A_28, %add3A_32 : vector<2000x128xf32>
    %swap3A = arith.constant 0 : index
    %swap3A_34 = arith.constant 0 : index
    %swap3A_35 = vector.load %arg5[%swap3A, %swap3A_34] : memref<2000x128xf32, #tpu.memory_space<vmem>>, vector<2000x128xf32>
    tpu.vector_store %arg5[%swap3A, %swap3A_34], %add3A_33 {strides = array<i32>} : memref<2000x128xf32, #tpu.memory_space<vmem>>, vector<2000x128xf32>,
    return
  }
  func.func @transform_0(%arg0: i32) -> (i32, i32) {
    %c0_i32 = arith.constant 0 : i32
    %c0_i32_0 = arith.constant 0 : i32
    return %arg0, %c0_i32 : i32, i32
  }
  func.func @transform_1(%arg0: i32) -> (i32, i32) {
    %c0_i32 = arith.constant 0 : i32
    %c0_i32_0 = arith.constant 0 : i32
    %c0_i32_1 = arith.constant 0 : i32
    return %c0_i32, %c0_i32_0 : i32, i32
  }
  func.func @transform_2(%arg0: i32) -> (i32, i32) {
    %c0_i32 = arith.constant 0 : i32
    %c0_i32_0 = arith.constant 0 : i32
    %c0_i32_1 = arith.constant 0 : i32
    return %c0_i32, %c0_i32_0 : i32, i32
  }
  func.func @transform_3(%arg0: i32) -> (i32, i32) {
    %c0_i32 = arith.constant 0 : i32
    %c0_i32_0 = arith.constant 0 : i32
    %c0_i32_1 = arith.constant 0 : i32
    return %c0_i32, %c0_i32_0 : i32, i32
  }
  func.func @transform_4(%arg0: i32) -> (i32, i32) {
    %c0_i32 = arith.constant 0 : i32
    %c0_i32_0 = arith.constant 0 : i32
    return %arg0, %c0_i32 : i32, i32
  }
}

module attributes {stable_mosaic.version = 14 : i64} {
  func.func @_combine_body(%arg0: i32, %arg1: memref<2x5120x128xf32, #tpu.memory_space<vmem>>, %arg2: memref<5120x32xf32, #tpu.memory_space<vmem>>, %arg3: memref<1x1xf32, #tpu.memory_space<vmem>>, %arg4: memref<5120x128xf32, #tpu.memory_space<vmem>>) attributes {dimension_semantics = [#tpu.dimension_semantics<arbitrary>], iteration_bounds = array<i64: 2>, scalar_prefetch = 0 : i64, scratch_operands = 0 : i64, tpu.core_type = #tpu.core_type<tc>, window_params = [{transform_indices = @transform_0, window_bounds = array<i64: 2, 5120, 128>}, {transform_indices = @transform_1, window_bounds = array<i64: 5120, 32>}, {pipeline_mode = #tpu.pipeline_mode<synchronous>, transform_indices = @transform_2, window_bounds = array<i64: 1, 1>}, {transform_indices = @transform_3, window_bounds = array<i64: 5120, 128>}]} {
    %get3A = arith.constant 0 : index
    %get3A_0 = arith.constant 0 : index
    %get3A_1 = arith.constant 0 : index
    %get3A_2 = vector.load %arg1[%get3A, %get3A_0, %get3A_1] : memref<2x5120x128xf32, #tpu.memory_space<vmem>>, vector<1x5120x128xf32>
    %get3A_3 = vector.shape_cast %get3A_2 : vector<1x5120x128xf32> to vector<5120x128xf32>
    %get3A_4 = arith.constant 1 : index
    %get3A_5 = arith.constant 0 : index
    %get3A_6 = arith.constant 0 : index
    %get3A_7 = vector.load %arg1[%get3A_4, %get3A_5, %get3A_6] : memref<2x5120x128xf32, #tpu.memory_space<vmem>>, vector<1x5120x128xf32>
    %get3A_8 = vector.shape_cast %get3A_7 : vector<1x5120x128xf32> to vector<5120x128xf32>
    %add3A = arith.addf %get3A_3, %get3A_8 : vector<5120x128xf32>
    %get3A_9 = arith.constant 0 : index
    %get3A_10 = arith.constant 0 : index
    %get3A_11 = vector.load %arg2[%get3A_9, %get3A_10] : memref<5120x32xf32, #tpu.memory_space<vmem>>, vector<5120x32xf32>
    %reduce_sum3A = arith.constant dense<0.000000e+00> : vector<5120xf32>
    %reduce_sum3A_12 = vector.multi_reduction <add>, %get3A_11, %reduce_sum3A [1] : vector<5120x32xf32> to vector<5120xf32>
    %broadcast_in_dim3A = vector.shape_cast %reduce_sum3A_12 : vector<5120xf32> to vector<5120x1xf32>
    %max3A = arith.constant 1.000000e+00 : f32
    %max3A_13 = vector.broadcast %max3A : f32 to vector<5120x1xf32>
    %max3A_14 = arith.maximumf %broadcast_in_dim3A, %max3A_13 : vector<5120x1xf32>
    %div3A = vector.broadcast %max3A_14 : vector<5120x1xf32> to vector<5120x128xf32>
    %div3A_15 = arith.divf %add3A, %div3A : vector<5120x128xf32>
    %get3A_16 = arith.constant 0 : index
    %get3A_17 = arith.constant 0 : index
    %get3A_18 = vector.load %arg3[%get3A_16, %get3A_17] : memref<1x1xf32, #tpu.memory_space<vmem>>, vector<1x1xf32>
    %get3A_19 = vector.extract %get3A_18[0, 0] : f32 from vector<1x1xf32>
    %sqrt3A = math.sqrt %get3A_19 : f32
    %mul3A = arith.mulf %div3A_15, %div3A_15 : vector<5120x128xf32>
    %reduce_sum3A_20 = arith.constant dense<0.000000e+00> : vector<5120xf32>
    %reduce_sum3A_21 = vector.multi_reduction <add>, %mul3A, %reduce_sum3A_20 [1] : vector<5120x128xf32> to vector<5120xf32>
    %broadcast_in_dim3A_22 = vector.shape_cast %reduce_sum3A_21 : vector<5120xf32> to vector<5120x1xf32>
    %sqrt3A_23 = math.sqrt %broadcast_in_dim3A_22 : vector<5120x1xf32>
    %mul3A_24 = vector.broadcast %sqrt3A : f32 to vector<5120x1xf32>
    %mul3A_25 = arith.mulf %mul3A_24, %sqrt3A_23 : vector<5120x1xf32>
    %div3A_26 = arith.constant 2.000000e+00 : f32
    %div3A_27 = vector.broadcast %div3A_26 : f32 to vector<5120x1xf32>
    %div3A_28 = arith.divf %mul3A_25, %div3A_27 : vector<5120x1xf32>
    %tanh3A = math.tanh %div3A_28 : vector<5120x1xf32>
    %mul3A_29 = vector.broadcast %tanh3A : vector<5120x1xf32> to vector<5120x128xf32>
    %mul3A_30 = arith.mulf %mul3A_29, %div3A_15 : vector<5120x128xf32>
    %mul3A_31 = vector.broadcast %sqrt3A : f32 to vector<5120x1xf32>
    %mul3A_32 = arith.mulf %mul3A_31, %sqrt3A_23 : vector<5120x1xf32>
    %div3A_33 = vector.broadcast %mul3A_32 : vector<5120x1xf32> to vector<5120x128xf32>
    %div3A_34 = arith.divf %mul3A_30, %div3A_33 : vector<5120x128xf32>
    %swap3A = arith.constant 0 : index
    %swap3A_35 = arith.constant 0 : index
    %swap3A_36 = vector.load %arg4[%swap3A, %swap3A_35] : memref<5120x128xf32, #tpu.memory_space<vmem>>, vector<5120x128xf32>
    tpu.vector_store %arg4[%swap3A, %swap3A_35], %div3A_34 {strides = array<i32>} : memref<5120x128xf32, #tpu.memory_space<vmem>>, vector<5120x128xf32>,
    return
  }
  func.func @transform_0(%arg0: i32) -> (i32, i32, i32) {
    %c0_i32 = arith.constant 0 : i32
    %c0_i32_0 = arith.constant 0 : i32
    %c0_i32_1 = arith.constant 0 : i32
    return %c0_i32, %arg0, %c0_i32_0 : i32, i32, i32
  }
  func.func @transform_1(%arg0: i32) -> (i32, i32) {
    %c0_i32 = arith.constant 0 : i32
    %c0_i32_0 = arith.constant 0 : i32
    return %arg0, %c0_i32 : i32, i32
  }
  func.func @transform_2(%arg0: i32) -> (i32, i32) {
    %c0_i32 = arith.constant 0 : i32
    %c0_i32_0 = arith.constant 0 : i32
    %c0_i32_1 = arith.constant 0 : i32
    return %c0_i32, %c0_i32_0 : i32, i32
  }
  func.func @transform_3(%arg0: i32) -> (i32, i32) {
    %c0_i32 = arith.constant 0 : i32
    %c0_i32_0 = arith.constant 0 : i32
    return %arg0, %c0_i32 : i32, i32
  }
}

</mosaic_0001>

<sc_bundles>
// kernel: kernel.5.cloned.1.call-start
scs
__scs_entry_jumppad:
0x0: {  	(pc) =	sbr.rel $0x88, $3  }
0x1: {  	(tag) =	ssettag $0x0;
	lr =	simm.s32 $0x1  }
0x2: {  	[smem:$0x3F9C] =	sst lr;
	_ =	strace $0xD0000000  }
0x3: {  	_ = 	snop  }
0x4: {  	_ = 	snop  }
0x5: {  	_ = 	snop  }
0x6: {  	_ = 	snop  }
0x7: {  	_ = 	snop  }
__scs_overlays_trampoline_lowered:
0x8: {  	[smem:$0x3FAB] =	sst s0  }
0x9: {  	[smem:$0x3FAC] =	sst s1  }
0xa: {  	[smem:$0x3FAD] =	sst s2  }
0xb: {  	[smem:$0x3FAE] =	sst s3  }
0xc: {  	[smem:$0x3FAF] =	sst s4  }
0xd: {  	[smem:$0x3FB0] =	sst s5  }
0xe: {  	[smem:$0x3FB1] =	sst s6  }
0xf: {  	[smem:$0x3FB2] =	sst s7  }
0x10: {  	[smem:$0x3FB3] =	sst s8  }
0x11: {  	[smem:$0x3FB4] =	sst s9;
	s0 =	simm.s32 @!p0 $0x0  }
0x12: {  	s1 =	sld [smem:$0x3F9A];
	s0 =	simm.s32 @p0 $0x1  }
0x13: {  	[smem:$0x3FB5] =	sst s0;
	s0 =	simm.s32 @!p1 $0x0  }
0x14: {  	s2 =	sld [smem:$0x3F99];
	s0 =	simm.s32 @p1 $0x1  }
0x15: {  	[smem:$0x3FB6] =	sst s0;
	s0 =	simm.s32 @!p2 $0x0  }
0x16: {  	s3 =	sld [smem:$0x3FDB];
	s0 =	simm.s32 @p2 $0x1  }
0x17: {  	s4 =	simm.s32 $0x1BF5;
	[smem:$0x3FB8] =	sst s0  }
0x18: {  	s0 =	sld [smem:$0x3F9B];
	_ =	swait.ge [sflag:s4], $0x0  }
0x19: {  	s7 =	sld [smem:$0x3F9C]  }
0x1a: {  	s8 =	sadd.s32 $0xFFFFE003, lr  }
0x1b: {  	s9 =	sadd.s32 $0xFFFFFEF7, lr;
	s5 =	simm.s32 $0xFFFFFFFF;
	p2 =	slt.u32 s8, $0xFFFFF086  }
0x1c: {  	p1 =	slt.u32 s9, $0xF7A;
	s5 =	simm.s32 @!p2 $0x0  }
0x1d: {  	s5 =	simm.s32 @p1 $0x1;
	p0 =	seq.s32 s7, s2  }
0x1e: {  	s7 =	smul.u32 @!p0 $0xF7A, s2;
	p2 =	seq.s32 @!p0 s5, $0x0  }
0x1f: {  	s9 =	smul.u32 $0xF7A, s1;
	s8 =	simm.s32 @!p0 $0x1BF5;
	p2 =	por !p2, p0  }
0x20: {  	[sflag:s8] =	ssyncset.s32 @!p0 $0xFFFFF086;
	s6 =	sadd.s32 @!p0 s3, s7;
	s7 =	simm.s32 @!p0 $0x108  }
0x21: {  	s3 =	sadd.s32 s3, s9;
	s6 =	sadd.s32 @!p0 $0x88, s6;
	s7 =	simm.s32 @p2 $0x1082  }
0x22: {  	[simem:s7], [sflag:s8] =	dma.local @!p0 [hbm:s6], $0xF7A  }
0x23: {  	s9 =	sor.u32 $0xD0000000, s2;
	s6 =	simm.s32 $0x108;
	_ =	swait.ge @!p0 [sflag:s8], $0x0  }
0x24: {  	s3 =	sadd.s32 $0x88, s3;
	s6 =	simm.s32 @!p1 $0x1082;
	[sflag:s4] =	ssyncset.s32 $0xFFFFF086  }
0x25: {  	[simem:s6], [sflag:s4] =	dma.local [hbm:s3], $0xF7A  }
0x26: {  	[smem:$0x3F9C] =	sst s1;
	(tag) =	ssettag s2;
	_ =	strace s9  }
0x27: {  	s1 =	sld [smem:$0x3FAC]  }
0x28: {  	s2 =	sld [smem:$0x3FAD]  }
0x29: {  	s4 =	sld [smem:$0x3FAF]  }
0x2a: {  	p0 =	seq.s32 s5, $0x0;
	s5 =	sld [smem:$0x3FB0]  }
0x2b: {  	s6 =	sld [smem:$0x3FB1]  }
0x2c: {  	s7 =	sld [smem:$0x3FB2]  }
0x2d: {  	s3 =	simm.s32 $0x108;
	s8 =	sld [smem:$0x3FB3]  }
0x2e: {  	s3 =	simm.s32 @!p0 $0x1082;
	s9 =	sld [smem:$0x3FB4]  }
0x2f: {  	lr =	sadd.s32 s0, s3;
	s0 =	sld [smem:$0x3FAB]  }
0x30: {  	s3 =	sld [smem:$0x3FAE]  }
0x31: {  	[smem:$0x3FB7] =	sst s10  }
0x32: {  	s10 =	sld [smem:$0x3FB5];
	_ =	sdelay $0x3  }
0x33: {  	p0 =	seq.s32 s10, $0x1;
	s10 =	sld [smem:$0x3FB7];
	_ =	sdelay $0x3  }
0x34: {  	[smem:$0x3FB7] =	sst s10  }
0x35: {  	s10 =	sld [smem:$0x3FB6];
	_ =	sdelay $0x3  }
0x36: {  	p1 =	seq.s32 s10, $0x1;
	s10 =	sld [smem:$0x3FB7];
	_ =	sdelay $0x3  }
0x37: {  	[smem:$0x3FB7] =	sst s10  }
0x38: {  	s10 =	sld [smem:$0x3FB8]  }
0x39: {  	_ = 	snop;
	(pc) =	sbr.ind lr, $3  }
0x3a: {  	_ = 	snop  }
0x3b: {  	_ = 	snop  }
0x3c: {  	p2 =	seq.s32 s10, $0x1;
	s10 =	sld [smem:$0x3FB7]  }
0x3d: {  	_ =	shalt  }
0x3e: {  	_ =	shalt  }
0x3f: {  	_ =	shalt  }
0x40: {  	_ =	shalt  }
0x41: {  	_ =	shalt  }
0x42: {  	_ =	shalt  }
0x43: {  	_ =	shalt  }
0x44: {  	_ =	shalt  }
0x45: {  	_ =	shalt  }
0x46: {  	_ =	shalt  }
0x47: {  	_ =	shalt  }
0x48: {  	_ =	shalt  }
0x49: {  	_ =	shalt  }
0x4a: {  	_ =	shalt  }
0x4b: {  	_ =	shalt  }
0x4c: {  	_ =	shalt  }
0x4d: {  	_ =	shalt  }
0x4e: {  	_ =	shalt  }
0x4f: {  	_ =	shalt  }
0x50: {  	_ =	shalt  }
0x51: {  	_ =	shalt  }
0x52: {  	_ =	shalt  }
0x53: {  	_ =	shalt  }
0x54: {  	_ =	shalt  }
0x55: {  	_ =	shalt  }
0x56: {  	_ =	shalt  }
0x57: {  	_ =	shalt  }
0x58: {  	_ =	shalt  }
0x59: {  	_ =	shalt  }
0x5a: {  	_ =	shalt  }
0x5b: {  	_ =	shalt  }
0x5c: {  	_ =	shalt  }
0x5d: {  	_ =	shalt  }
0x5e: {  	_ =	shalt  }
0x5f: {  	_ =	shalt  }
0x60: {  	_ =	shalt  }
0x61: {  	_ =	shalt  }
0x62: {  	_ =	shalt  }
0x63: {  	_ =	shalt  }
0x64: {  	_ =	shalt  }
0x65: {  	_ =	shalt  }
0x66: {  	_ =	shalt  }
0x67: {  	_ =	shalt  }
0x68: {  	_ =	shalt  }
0x69: {  	_ =	shalt  }
0x6a: {  	_ =	shalt  }
0x6b: {  	_ =	shalt  }
0x6c: {  	_ =	shalt  }
0x6d: {  	_ =	shalt  }
0x6e: {  	_ =	shalt  }
0x6f: {  	_ =	shalt  }
0x70: {  	_ =	shalt  }
0x71: {  	_ =	shalt  }
0x72: {  	_ =	shalt  }
0x73: {  	_ =	shalt  }
0x74: {  	_ =	shalt  }
0x75: {  	_ =	shalt  }
0x76: {  	_ =	shalt  }
0x77: {  	_ =	shalt  }
0x78: {  	_ =	shalt  }
0x79: {  	_ =	shalt  }
0x7a: {  	_ =	shalt  }
0x7b: {  	_ =	shalt  }
0x7c: {  	_ =	shalt  }
0x7d: {  	_ =	shalt  }
0x7e: {  	_ =	shalt  }
0x7f: {  	_ =	shalt  }
0x80: {  	_ =	shalt  }
0x81: {  	_ =	shalt  }
0x82: {  	_ =	shalt  }
0x83: {  	_ =	shalt  }
0x84: {  	_ =	shalt  }
0x85: {  	_ =	shalt  }
0x86: {  	_ =	shalt  }
0x87: {  	_ =	shalt  }
.Lfunc_end0:
.L_simem_size_0:
called_computation_lowered:
.L_overlay_start_0:
0x88: {  	s2 =	sld [smem:$0x3FD9]  }
0x89: {  	s3 =	sld [smem:$0x3FFE];
	_ =	sdelay $0x1  }
0x8a: {  	s1 =	srdreg.scid  }
0x8b: {  	s0 =	sand.u32 $0x1, s1  }
0x8c: {  	s17 =	sshll.u32 s0, $0xA;
	s2 =	sadd.s32 s3, s2  }
0x8d: {  	s2 =	sadd.s32 s2, s17  }
0x8e: {  	[smem:$0x3FC3] =	sst s2  }
0x8f: {  	_ = 	snop  }
0x90: {  	s2 =	sld [smem:$0x3FD0];
	(tm) =	ssettm $0x1  }
0x91: {  	s18 =	sld [smem:$0x3FFB];
	_ =	sdelay $0x3  }
0x92: {  	_ =	strace s18  }
0x93: {  	s3 =	sld [smem:$0x3FFC];
	_ =	sdelay $0x3  }
0x94: {  	_ =	strace s3  }
0x95: {  	s3 =	sld [smem:$0x3FFD];
	_ =	sdelay $0x3  }
0x96: {  	_ =	strace s3  }
0x97: {  	_ =	strace $0x8FFFFFFF  }
0x98: {  	s19 =	sld [smem:$0x3FDB];
	_ =	sdelay $0x1  }
0x99: {  	s4 =	simm.s32 $_scs_section_size  }
0x9a: {  	s5 =	simm.s32 $_size__tile_overlayer_lowered;
	s6 =	simm.s32 $_tile_overlayer_lowered  }
0x9b: {  	s22 =	simm.s32 $0x1BFF;
	s21 =	sshll.u32 s6, $0x1;
	s3 =	sadd.s32 s4, s19  }
0x9c: {  	s7 =	simm.s32 $0x0;
	s20 =	sshll.u32 s5, $0x1;
	s5 =	sadd.s32 s21, s3  }
0x9d: {  	[timem:s7], [sflag:s22] =	dma.local [hbm:s5], s20  }
0x9e: {  	_ =	swait.ge [sflag:s22], s20  }
0x9f: {  	s4 =	ssub.s32 $0x0, s20;
	[sflag:s22] =	ssyncset.done $0x0  }
0xa0: {  	[sflag:s22] =	ssyncadd.s32 s4;
	_ =	sdelay $0x1  }
0xa1: {  	s23 =	simm.s32 $0x1B8B  }
0xa2: {  	_ =	swait.ge [sflag:s23], $0x1  }
0xa3: {  	[sflag:s23] =	ssyncset.done $0x0  }
0xa4: {  	s25 =	simm.s32 $0x1B8E;
	s24 =	sld [smem:$0x3FFE];
	[sflag:s23] =	ssyncadd.s32 $0xFFFFFFFF  }
0xa5: {  	s26 =	simm.s32 $execute0_lowered;
	[smem:$0x3FD2] =	sst s25  }
0xa6: {  	s5 =	sshll.u32 s26, $0x1;
	_ =	strace $0x80000046;
	[dreg:$0x1] =	wrdreg $0xFFFFFFFF  }
0xa7: {  	s28 =	simm.s32 $_size_execute0_lowered;
	s3 =	sadd.s32 s3, s5;
	[dreg:$0x0] =	wrdreg $0x0  }
0xa8: {  	s5 =	sshll.u32 s28, $0x1;
	[dreg:$0x2] =	wrdreg s3  }
0xa9: {  	[dreg:$0x3] =	wrdreg s5  }
0xaa: {  	[dreg:$0x4] =	wrdreg $0xC0  }
0xab: {  	_ =	task [dreg:s7], $0x5FFFF  }
0xac: {  	[dreg:$0x1] =	wrdreg $0xFFFFFFFF  }
0xad: {  	[dreg:$0x0] =	wrdreg $0x60  }
0xae: {  	[dreg:$0x2] =	wrdreg s24  }
0xaf: {  	[dreg:$0x3] =	wrdreg s2  }
0xb0: {  	[dreg:$0x4] =	wrdreg $0xB8000  }
0xb1: {  	[dreg:$0x5] =	wrdreg $0x9  }
0xb2: {  	_ =	task.clear_ibuf [dreg:s7], $0x6FFFF;
	_ =	strace $0x90000046  }
0xb3: {  	s29 =	simm.s32 $0x9;
	_ =	strace $0x80000048  }
0xb4: {  	_ =	swait.ge [sflag:s29], $0x1  }
0xb5: {  	[sflag:s29] =	ssyncadd.s32 $0xFFFFFFFF  }
0xb6: {  	_ =	strace $0x90000048  }
0xb7: {  	_ =	sfence  }
0xb8: {  	s30 =	sld [smem:$0x0];
	_ =	sdelay $0x2  }
0xb9: {  	s31 =	sshll.u32 s1, $0xD;
	s1 =	sshrl.u32 s1, $0x2  }
0xba: {  	s3 =	sand.u32 $0x4000, s31;
	s1 =	sadd.s32 s1, s30  }
0xbb: {  	s0 =	sor.u32 s3, s0;
	s1 =	sshll.u32 s1, $0x11  }
0xbc: {  	s0 =	sor.u32 s1, s0  }
0xbd: {  	s0 =	sadd.s32 $0x8F2B, s0  }
0xbe: {  	[sflag:s0] =	ssyncadd.remote.s32 $0x1  }
0xbf: {  	_ =	sfence.sel $0xFFFF  }
0xc0: {  	[dreg:$0x0] =	wrdreg $0xFFFFFFFF;
	(pc) =	sbr.abs _section_cstart, $3  }
0xc1: {  	[dreg:$0x1] =	wrdreg $0xFFFFFFFF  }
0xc2: {  	_ =	task.clear_ibuf [dreg:s7], $0x2FFFF;
	_ =	strace $0x9FFFFFFF  }
0xc3: {  	(tm) =	ssettm $0x7FFFFFFF  }
tec
execute0_lowered:
.L_overlay_start_1:
0x0: {  	(tag) =	ssettag $0x1  }
0x1: {  	s6 =	rddreg [dreg:$0x0]  }
0x2: {  	s1 =	rddreg [dreg:$0x1]  }
0x3: {  	s3 =	rddreg [dreg:$0x2]  }
0x4: {  	s0 =	rddreg [dreg:$0x3]  }
0x5: {  	s4 =	simm.s32 $0x0;
	s5 =	srdreg.scid;
	s2 =	stileid.u32  }
0x6: {  	s14 =	simm.s32 $0x9000;
	s15 =	simm.s32 $0x2800;
	s16 =	simm.s32 $0x80  }
0x7: {  	s17 =	simm.s32 $0x5000;
	s18 =	simm.s32 $0x1;
	s19 =	simm.s32 $0x0  }
0x8: {  	s7 =	sand.u32 $0x1, s5;
	s8 =	smul.u32 $0x2800, s2;
	s26 =	sshll.u32 s2, $0x1  }
0x9: {  	[smem:$0x7FF] =	sst s4;
	s5 =	sadd.s32 $0x15200, s6;
	s28 =	smul.u32 $0x50000, s2  }
0xa: {  	s31 =	sshll.u32 s2, $0x6;
	s9 =	smul.u32 $0x28000, s7;
	s10 =	sor.u32 s7, s26  }
0xb: {  	_ =	strace $0x80000047;
	s7 =	ssub.s32 $0x2, s7;
	s10 =	smul.u32 $0x500, s10  }
0xc: {  	s29 =	sshrl.u32 s7, $0x1;
	s30 =	sshrl.u32 s28, $0x2;
	s8 =	sadd.s32 s8, s9  }
0xd: {  	s12 =	ssub.s32 s7, s29;
	s13 =	sadd.s32 s30, s3;
	s10 =	sadd.s32 s10, s6  }
0xe: {  	s11 =	sadd.s32 s8, s6;
	s6 =	sor.u32 $0x1C02, s31;
	s7 =	sadd.s32 $0xB200, s10  }
0xf: {  	s8 =	sadd.s32 $0x1200, s10;
	s9 =	sadd.s32 $0x21A00, s11;
	s10 =	sadd.s32 $0x17A00, s10  }
0x10: {  	s11 =	smax.u32 s12, $0x1;
	s12 =	sshrl.u32 s13, $0x3;
	s13 =	simm.s32 $0x2  }
.LBB2_1:
0x11: {  	[spmem:s12], [sflag:s6] =	dma.local [hbm:s5], $0x2800  }
0x12: {  	_ =	swait.ge [sflag:s13], $0x2800  }
0x13: {  	[sflag:s13] =	ssyncset.done $0x0  }
0x14: {  	[sflag:s13] =	ssyncadd.s32 $0xFFFFD800  }
0x15: {  	[tilespmem:s14], [sflag:$0x2] =	stream.linear.gather [hbm4b:s5+s4], $0x2800, $0x38;
	[tilespmem:$0x1F800] =	vst v63  }
0x16: {  	_ =	swait.ge [sflag:s13], $0x2800  }
0x17: {  	[sflag:s13] =	ssyncset.done $0x0  }
0x18: {  	[sflag:s13] =	ssyncadd.s32 $0xFFFFD800  }
0x19: {  	[bflag:$0x0] =	sbarrier.arrive $0xFFFF  }
0x1a: {  	[tilespmem:s4], [sflag:$0x2] =	stream.linear.gather [hbm4b:s7+s4], $0x2780, $0x38;
	[tilespmem:$0x1F800] =	vst v63  }
0x1b: {  	_ =	swait.ge [sflag:s13], $0x2780  }
0x1c: {  	[sflag:s13] =	ssyncset.done $0x0  }
0x1d: {  	[sflag:s13] =	ssyncadd.s32 $0xFFFFD880  }
0x1e: {  	[tilespmem:s15], [sflag:$0x2] =	stream.linear.gather [hbm4b:s8+s4], $0x2780, $0x38;
	[tilespmem:$0x1F800] =	vst v63  }
0x1f: {  	_ =	swait.ge [sflag:s13], $0x2780  }
0x20: {  	[sflag:s13] =	ssyncset.done $0x0  }
0x21: {  	s20 =	simm.s32 $0x0;
	[sflag:s13] =	ssyncadd.s32 $0xFFFFD880  }
.LBB2_2:
0x22: {  	s21 =	sshra.s32 s20, $0x2  }
0x23: {  	[tilespmem:s17], [sflag:$0x1] =	stream.indirect.gather [hbm4b:s1+s16], $0x80, s21, s16, $0xb8;
	[tilespmem:$0x1F800] =	vst v63  }
0x24: {  	v0 =	vld [tilespmem:s21+$0x2800];
	_ =	sdelay $0x4  }
0x25: {  	(xrf1) =	vunique.msk.u32 $0xffff, v0;
	_ =	sdelay $0xd  }
0x26: {  	_, v1, vm0 =	vpop (xrf1);
	_ =	sdelay $0x3  }
0x27: {  	v1 =	vcvt.s32.f32 v1;
	_ =	sdelay $0x1  }
0x28: {  	[tilespmem:v0+s14+$0x0] =	vst.idx.add.f32.msk vm0, v1  }
0x29: {  	v0 =	vld [tilespmem:s21+$0x2810];
	_ =	sdelay $0x4  }
0x2a: {  	(xrf1) =	vunique.msk.u32 $0xffff, v0;
	_ =	sdelay $0xd  }
0x2b: {  	_, v1, vm0 =	vpop (xrf1);
	_ =	sdelay $0x3  }
0x2c: {  	v1 =	vcvt.s32.f32 v1;
	_ =	sdelay $0x1  }
0x2d: {  	[tilespmem:v0+s14+$0x0] =	vst.idx.add.f32.msk vm0, v1  }
0x2e: {  	v0 =	vld [tilespmem:s21+$0x2820];
	_ =	sdelay $0x4  }
0x2f: {  	(xrf1) =	vunique.msk.u32 $0xffff, v0;
	_ =	sdelay $0xd  }
0x30: {  	_, v1, vm0 =	vpop (xrf1);
	_ =	sdelay $0x3  }
0x31: {  	v1 =	vcvt.s32.f32 v1;
	_ =	sdelay $0x1  }
0x32: {  	[tilespmem:v0+s14+$0x0] =	vst.idx.add.f32.msk vm0, v1  }
0x33: {  	v0 =	vld [tilespmem:s21+$0x2830];
	_ =	sdelay $0x4  }
0x34: {  	(xrf1) =	vunique.msk.u32 $0xffff, v0;
	_ =	sdelay $0xd  }
0x35: {  	_, v1, vm0 =	vpop (xrf1);
	_ =	sdelay $0x3  }
0x36: {  	v1 =	vcvt.s32.f32 v1;
	_ =	sdelay $0x1  }
0x37: {  	[tilespmem:v0+s14+$0x0] =	vst.idx.add.f32.msk vm0, v1  }
0x38: {  	v0 =	vld [tilespmem:s21+$0x2840];
	_ =	sdelay $0x4  }
0x39: {  	(xrf1) =	vunique.msk.u32 $0xffff, v0;
	_ =	sdelay $0xd  }
0x3a: {  	_, v1, vm0 =	vpop (xrf1);
	_ =	sdelay $0x3  }
0x3b: {  	v1 =	vcvt.s32.f32 v1;
	_ =	sdelay $0x1  }
0x3c: {  	[tilespmem:v0+s14+$0x0] =	vst.idx.add.f32.msk vm0, v1  }
0x3d: {  	v0 =	vld [tilespmem:s21+$0x2850];
	_ =	sdelay $0x4  }
0x3e: {  	(xrf1) =	vunique.msk.u32 $0xffff, v0;
	_ =	sdelay $0xd  }
0x3f: {  	_, v1, vm0 =	vpop (xrf1);
	_ =	sdelay $0x3  }
0x40: {  	v1 =	vcvt.s32.f32 v1;
	_ =	sdelay $0x1  }
0x41: {  	[tilespmem:v0+s14+$0x0] =	vst.idx.add.f32.msk vm0, v1  }
0x42: {  	v0 =	vld [tilespmem:s21+$0x2860];
	_ =	sdelay $0x4  }
0x43: {  	(xrf1) =	vunique.msk.u32 $0xffff, v0;
	_ =	sdelay $0xd  }
0x44: {  	_, v1, vm0 =	vpop (xrf1);
	_ =	sdelay $0x3  }
0x45: {  	v1 =	vcvt.s32.f32 v1;
	_ =	sdelay $0x1  }
0x46: {  	[tilespmem:v0+s14+$0x0] =	vst.idx.add.f32.msk vm0, v1  }
0x47: {  	v0 =	vld [tilespmem:s21+$0x2870];
	_ =	sdelay $0x4  }
0x48: {  	(xrf1) =	vunique.msk.u32 $0xffff, v0;
	_ =	sdelay $0xd  }
0x49: {  	_, v1, vm0 =	vpop (xrf1);
	_ =	sdelay $0x3  }
0x4a: {  	v1 =	vcvt.s32.f32 v1;
	_ =	sdelay $0x1  }
0x4b: {  	[tilespmem:v0+s14+$0x0] =	vst.idx.add.f32.msk vm0, v1  }
0x4c: {  	_ =	swait.ge [sflag:s18], $0x4000  }
0x4d: {  	p0 =	sne.s32 s20, $0x9C00;
	[sflag:s18] =	ssyncset.done $0x0  }
.Ltmp0:
0x4e: {  	s21 =	sadd.s32 $0x2800, s21;
	[sflag:s18] =	ssyncadd.s32 $0xFFFFC000;
	(pc) =	sbr.rel @p0 .LBB2_2-.Ltmp0, $4  }
0x4f: {  	[spmem:s3] =	stream.indirect.scatter.add.f32 [tilespmem:s17], [sflag:$0x2], $0x80, s21, s16, $0xb8;
	[tilespmem:$0x1F800] =	vst v63  }
0x50: {  	_ =	swait.ge [sflag:s13], $0x4000  }
0x51: {  	[sflag:s13] =	ssyncset.done $0x0  }
0x52: {  	s20 =	sadd.s32 $0x200, s20;
	[sflag:s13] =	ssyncadd.s32 $0xFFFFC000  }
0x53: {  	[bflag:$0x0] =	sbarrier.arrive $0xFFFF  }
0x54: {  	[hbm:s9], [sflag:s6] =	dma.local [spmem:s12], $0x2800  }
0x55: {  	s19 =	sadd.s32 $0x1, s19;
	_ =	swait.ge [sflag:s13], $0x2800  }
0x56: {  	p0 =	sne.s32 s19, s11;
	[sflag:s13] =	ssyncset.done $0x0  }
.Ltmp1:
0x57: {  	[sflag:s13] =	ssyncadd.s32 $0xFFFFD800;
	(pc) =	sbr.rel @p0 .LBB2_1-.Ltmp1, $4  }
0x58: {  	[hbm4b:s10+s4] =	stream.linear.scatter [tilespmem:s14], [sflag:$0x2], $0x2800, $0x38;
	[tilespmem:$0x1F800] =	vst v63  }
0x59: {  	_ =	swait.ge [sflag:s13], $0x2800  }
0x5a: {  	[sflag:s13] =	ssyncset.done $0x0  }
0x5b: {  	[sflag:s13] =	ssyncadd.s32 $0xFFFFD800  }
0x5c: {  	_ =	sfence.sel $0x180000  }
0x5d: {  	[bflag:$0x0] =	sbarrier.arrive $0xFFFF  }
0x5e: {  	p0 =	sne.s32 s2, $0x0;
	_ =	strace $0x90000047  }
0x5f: {  	s0 =	sadd.s32 @!p0 $0x100000, s0;
	[bflag:$0x2] =	sbarrier.arrive $0xFFFF  }
0x60: {  	[sflag:s0] =	ssyncadd.tile.s32 @!p0 $0x1;
	_ =	shalt  }
.Lfunc_end2:
_tile_overlayer_lowered:
.L_overlay_start_2:
0x61: {  	(tag) =	ssettag $0x2  }
0x62: {  	s0 =	rddreg [dreg:$0x0];
	s2 =	stileid.u32  }
0x63: {  	s1 =	rddreg [dreg:$0x1];
	p0 =	sne.s32 s2, $0x0  }
0x64: {  	s3 =	rddreg [dreg:$0x2];
	[bflag:$0x3] =	sbarrier.arrive $0xFFFF;
	s2 =	simm.s32 @!p0 $0x1C02  }
0x65: {  	[timem:s3], [sflag:s2] =	dma.local @!p0 [hbm:s0], s1  }
0x66: {  	s0 =	simm.s32 @!p0 $0x2  }
0x67: {  	_ =	swait.ge @!p0 [sflag:s0], s1  }
0x68: {  	s1 =	ssub.s32 @!p0 $0x0, s1;
	[sflag:s0] =	ssyncset.done @!p0 $0x0  }
0x69: {  	[sflag:s0] =	ssyncadd.s32 @!p0 s1  }
0x6a: {  	[bflag:$0x3] =	sbarrier.arrive $0xFFFF  }
0x6b: {  	_ =	shalt  }

</sc_bundles>
